<compile_context>
chip_gen: v7x
topology: tpu7x:2x2x1
jax: 0.10.2.dev20260603
libtpu: 0.0.44.dev20260713+nightly
codegen_flags: <defaults>
</compile_context>

<pallas_src>
import functools

import jax
import jax.numpy as jnp
from jax import lax
from jax.experimental import pallas as pl
from jax.experimental.pallas import tpu as pltpu
from jax.experimental.pallas import tpu_sc as plsc

NC = 2
NS = 16
NW = NC * NS
CHUNK = 128


def _round_up(a, m):
    return (a + m - 1) // m * m


@functools.partial(jax.jit, static_argnums=(3, 4, 5))
def _sc_aggregate(x, src, dst, n_rows, n_pad, n_chunks):
    D = x.shape[1]
    rows_per_tile = n_pad // NS
    zcopies = (n_pad // CHUNK + NS - 1) // NS
    mesh = plsc.VectorSubcoreMesh(core_axis_name="c", subcore_axis_name="s")

    @functools.partial(
        pl.kernel,
        out_type=jax.ShapeDtypeStruct((NC, n_pad, D), jnp.float32),
        mesh=mesh,
        scratch_types=[
            pltpu.VMEM_SHARED((n_pad, D), jnp.float32),
            pltpu.VMEM((n_chunks, CHUNK), jnp.int32),
            pltpu.VMEM((n_chunks, CHUNK), jnp.int32),
            pltpu.VMEM((CHUNK, D), jnp.float32),
            pltpu.SemaphoreType.DMA,
            pltpu.SemaphoreType.DMA,
        ],
    )
    def k(x_hbm, src_hbm, dst_hbm, out_hbm, aggr_sh, src_v, dst_v, buf,
          sem, sem_i):
        c = lax.axis_index("c")
        s = lax.axis_index("s")

        pltpu.async_copy(src_hbm.at[c, s], src_v, sem_i)
        pltpu.async_copy(dst_hbm.at[c, s], dst_v, sem_i)

        zero = jnp.zeros((16,), jnp.float32)

        def zrow(i, _):
            def zcol(j, _):
                buf[i, pl.ds(j * 16, 16)] = zero
                return 0
            return lax.fori_loop(0, D // 16, zcol, 0)

        lax.fori_loop(0, CHUNK, zrow, 0)
        row0 = s * rows_per_tile
        for r in range(zcopies):
            z = s + NS * r

            @pl.when(z < n_pad // CHUNK)
            def _():
                pltpu.sync_copy(buf, aggr_sh.at[pl.ds(z * CHUNK, CHUNK)])
        pltpu.make_async_copy(src_hbm.at[c, s], src_v, sem_i).wait()
        pltpu.make_async_copy(dst_hbm.at[c, s], dst_v, sem_i).wait()
        plsc.subcore_barrier()

        def step(j):
            pltpu.async_copy(x_hbm.at[src_v.at[j]], buf, sem).wait()
            pltpu.sync_copy(buf, aggr_sh.at[dst_v.at[j]], add=True)

        def body(jj, _):
            step(jj * 2)
            step(jj * 2 + 1)
            return 0

        lax.fori_loop(0, n_chunks // 2, body, 0)
        if n_chunks % 2:
            step(n_chunks - 1)
        plsc.subcore_barrier()

        pltpu.sync_copy(
            aggr_sh.at[pl.ds(row0, rows_per_tile)],
            out_hbm.at[c, pl.ds(row0, rows_per_tile)],
        )

    return k(x, src, dst)


def _tc_linear(x, partials, W, b, relu, n_rows, block_rows):
    D = x.shape[1]
    Wt = W[:D]
    Wb = W[D:]
    b2 = b.reshape(1, D)
    grid = n_rows // block_rows

    def body(x_ref, p_ref, wt_ref, wb_ref, b_ref, o_ref):
        agg = p_ref[0] + p_ref[1]
        acc = jnp.dot(x_ref[...], wt_ref[...],
                      preferred_element_type=jnp.float32)
        acc += jnp.dot(agg, wb_ref[...], preferred_element_type=jnp.float32)
        acc += b_ref[...]
        if relu:
            acc = jnp.maximum(acc, 0.0)
        o_ref[...] = acc

    return pl.pallas_call(
        body,
        grid=(grid,),
        in_specs=[
            pl.BlockSpec((block_rows, D), lambda i: (i, 0)),
            pl.BlockSpec((NC, block_rows, D), lambda i: (0, i, 0)),
            pl.BlockSpec((D, D), lambda i: (0, 0)),
            pl.BlockSpec((D, D), lambda i: (0, 0)),
            pl.BlockSpec((1, D), lambda i: (0, 0)),
        ],
        out_specs=pl.BlockSpec((block_rows, D), lambda i: (i, 0)),
        out_shape=jax.ShapeDtypeStruct((n_rows, D), jnp.float32),
    )(x, partials, Wt, Wb, b2)


def _prep_edges(edge_index, n_rows, n_chunks):
    e = edge_index.shape[1]
    per_w = e // NW
    ew = n_chunks * CHUNK
    src = edge_index[0].reshape(NC, NS, per_w)
    dst = edge_index[1].reshape(NC, NS, per_w)
    pad = ew - per_w
    src = jnp.pad(src, ((0, 0), (0, 0), (0, pad)))
    dst = jnp.pad(dst, ((0, 0), (0, 0), (0, pad)), constant_values=n_rows)
    return (src.reshape(NC, NS, n_chunks, CHUNK),
            dst.reshape(NC, NS, n_chunks, CHUNK))


def kernel(x, edge_index0, edge_index1, W0, b0, W1, b1):
    n_rows, D = x.shape
    e = edge_index0.shape[1]
    assert e % NW == 0
    n_chunks = _round_up(e // NW, CHUNK) // CHUNK
    n_pad = _round_up(n_rows + 1, NS * 8)
    block_rows = 400
    assert n_rows % block_rows == 0

    src0, dst0 = _prep_edges(edge_index0, n_rows, n_chunks)
    src1, dst1 = _prep_edges(edge_index1, n_rows, n_chunks)

    p0 = _sc_aggregate(x, src0, dst0, n_rows, n_pad, n_chunks)
    h = _tc_linear(x, p0, W0, b0, True, n_rows, block_rows)
    p1 = _sc_aggregate(h, src1, dst1, n_rows, n_pad, n_chunks)
    out = _tc_linear(h, p1, W1, b1, False, n_rows, block_rows)
    return out

# --- scband reference (transcript-rebuilt; emitter-appended) ---
"""Pipeline reference for scband-fast-sagetorch-82609400971287 (READ-ONLY COPY).

The authoritative reference and input builder live on the scoring server;
editing this copy changes nothing except your own understanding.
"""

import jax, jax.numpy as jnp
import numpy as np

N = 10000   # nodes in sampled subgraph (size[1] for both layers)
E = 320000  # edges per layer
D = 128     # latent_dim (config['recdim'])


def setup_inputs(seed: int = 0) -> dict:
    key = jax.random.key(seed)
    k1, k2, k3, k4, k5 = jax.random.split(key, 5)
    x = jax.random.normal(k1, (N, D), dtype=jnp.float32)
    edge_index0 = jax.random.randint(k2, (2, E), 0, N, dtype=jnp.int32)
    edge_index1 = jax.random.randint(k3, (2, E), 0, N, dtype=jnp.int32)
    # learned params: w_linears[i] = Linear(2*D -> D), num_layers=2
    W0 = jax.random.normal(k4, (2 * D, D), dtype=jnp.float32) * 0.05
    b0 = jnp.zeros((D,), dtype=jnp.float32)
    W1 = jax.random.normal(k5, (2 * D, D), dtype=jnp.float32) * 0.05
    b1 = jnp.zeros((D,), dtype=jnp.float32)
    return {"x": x, "edge_index0": edge_index0, "edge_index1": edge_index1,
            "W0": W0, "b0": b0, "W1": W1, "b1": b1}


def reference(x, edge_index0, edge_index1, W0, b0, W1, b1):
    # Layer 0: gather sources, scatter-sum into dst, cat with target feats, linear, relu
    source_x = jnp.take(x, edge_index0[0], axis=0)
    aggr = jax.ops.segment_sum(source_x, edge_index0[1], num_segments=N)
    target_x = x[:N]
    h = jnp.concatenate([target_x, aggr], axis=1) @ W0 + b0
    h = jax.nn.relu(h)  # not last layer
    # Layer 1 (last): no relu
    source_x = jnp.take(h, edge_index1[0], axis=0)
    aggr = jax.ops.segment_sum(source_x, edge_index1[1], num_segments=N)
    target_x = h[:N]
    out = jnp.concatenate([target_x, aggr], axis=1) @ W1 + b1
    return out

if __name__ == "__main__":
    import jax
    _d = setup_inputs()
    print(jax.jit(kernel)(*tuple(_d.values())))

</pallas_src>

<mosaic_0001>
#map = affine_map<(d0, d1) -> (0, 0)>
#map1 = affine_map<(d0, d1) -> (0, 0, 0, 0)>
#map2 = affine_map<(d0, d1) -> (0, 0, 0)>
module attributes {stable_mosaic.version = 14 : i64} {
  func.func @k(%arg0: i32, %arg1: i32, %arg2: memref<10000x128xf32, #tpu.memory_space<hbm>>, %arg3: memref<2x16x79x128xi32, #tpu.memory_space<hbm>>, %arg4: memref<2x16x79x128xi32, #tpu.memory_space<hbm>>, %arg5: memref<2x10112x128xf32, #tpu.memory_space<hbm>>, %arg6: memref<10112x128xf32, #tpu.memory_space<vmem_shared>>, %arg7: memref<79x128xi32, #tpu.memory_space<vmem>>, %arg8: memref<79x128xi32, #tpu.memory_space<vmem>>, %arg9: memref<128x128xf32, #tpu.memory_space<vmem>>, %arg10: memref<!tpu.dma_semaphore, #tpu.memory_space<semaphore_mem>>, %arg11: memref<!tpu.dma_semaphore, #tpu.memory_space<semaphore_mem>>) attributes {dimension_semantics = [#tpu.dimension_semantics<core_parallel>, #tpu.dimension_semantics<subcore_parallel>], iteration_bounds = array<i64: 2, 16>, scalar_prefetch = 0 : i64, scratch_operands = 6 : i64, tpu.core_type = #tpu.core_type<sc_vector_subcore>, window_params = [{transform_indices = #map}, {transform_indices = #map1}, {transform_indices = #map1}, {transform_indices = #map2}]} {
    %dma_start3A = arith.constant 0 : i32
    %dma_start3A_0 = arith.constant 0 : i32
    %dma_start3A_1 = tpu.memref_slice %arg3[%arg0, %arg1, %dma_start3A, %dma_start3A_0] : memref<2x16x79x128xi32, #tpu.memory_space<hbm>> -> memref<1x1x79x128xi32, #tpu.memory_space<hbm>>
    %dma_start3A_2 = tpu.memref_squeeze %dma_start3A_1 : memref<1x1x79x128xi32, #tpu.memory_space<hbm>> -> memref<79x128xi32, #tpu.memory_space<hbm>>
    %dma_start3A_3 = arith.constant 0 : i32
    %dma_start3A_4 = arith.constant 0 : i32
    %dma_start3A_5 = tpu.memref_slice %arg3[%arg0, %arg1, %dma_start3A_3, %dma_start3A_4] : memref<2x16x79x128xi32, #tpu.memory_space<hbm>> -> memref<1x1x79x128xi32, #tpu.memory_space<hbm>>
    %dma_start3A_6 = tpu.memref_squeeze %dma_start3A_5 : memref<1x1x79x128xi32, #tpu.memory_space<hbm>> -> memref<79x128xi32, #tpu.memory_space<hbm>>
    tpu.enqueue_dma source(%dma_start3A_6 : memref<79x128xi32, #tpu.memory_space<hbm>>) target(%arg7 : memref<79x128xi32, #tpu.memory_space<vmem>>) target_semaphore(%arg11 : memref<!tpu.dma_semaphore, #tpu.memory_space<semaphore_mem>>)
    %dma_start3A_7 = arith.constant 0 : i32
    %dma_start3A_8 = arith.constant 0 : i32
    %dma_start3A_9 = tpu.memref_slice %arg4[%arg0, %arg1, %dma_start3A_7, %dma_start3A_8] : memref<2x16x79x128xi32, #tpu.memory_space<hbm>> -> memref<1x1x79x128xi32, #tpu.memory_space<hbm>>
    %dma_start3A_10 = tpu.memref_squeeze %dma_start3A_9 : memref<1x1x79x128xi32, #tpu.memory_space<hbm>> -> memref<79x128xi32, #tpu.memory_space<hbm>>
    %dma_start3A_11 = arith.constant 0 : i32
    %dma_start3A_12 = arith.constant 0 : i32
    %dma_start3A_13 = tpu.memref_slice %arg4[%arg0, %arg1, %dma_start3A_11, %dma_start3A_12] : memref<2x16x79x128xi32, #tpu.memory_space<hbm>> -> memref<1x1x79x128xi32, #tpu.memory_space<hbm>>
    %dma_start3A_14 = tpu.memref_squeeze %dma_start3A_13 : memref<1x1x79x128xi32, #tpu.memory_space<hbm>> -> memref<79x128xi32, #tpu.memory_space<hbm>>
    tpu.enqueue_dma source(%dma_start3A_14 : memref<79x128xi32, #tpu.memory_space<hbm>>) target(%arg8 : memref<79x128xi32, #tpu.memory_space<vmem>>) target_semaphore(%arg11 : memref<!tpu.dma_semaphore, #tpu.memory_space<semaphore_mem>>)
    %broadcast_in_dim3A = arith.constant 0.000000e+00 : f32
    %broadcast_in_dim3A_15 = vector.broadcast %broadcast_in_dim3A : f32 to vector<16xf32>
    %scan3A = arith.constant 0 : i32
    %scan3A_16 = arith.constant 0 : i32
    %scan3A_17 = arith.constant 128 : i32
    %scan3A_18 = arith.addi %scan3A_16, %scan3A_17 : i32
    %scan3A_19 = arith.constant 1 : i32
    %scan3A_20 = scf.for %scan3A_91 = %scan3A_16 to %scan3A_18 step %scan3A_19 iter_args(%scan3A_92 = %scan3A) -> (i32)  : i32 {
      %scan3A_93 = arith.constant 0 : i32
      %scan3A_94 = arith.constant 0 : i32
      %scan3A_95 = arith.constant 8 : i32
      %scan3A_96 = arith.addi %scan3A_94, %scan3A_95 : i32
      %scan3A_97 = arith.constant 1 : i32
      %scan3A_98 = scf.for %scan3A_100 = %scan3A_94 to %scan3A_96 step %scan3A_97 iter_args(%scan3A_101 = %scan3A_93) -> (i32)  : i32 {
        %mul3A_102 = arith.constant 16 : i32
        %mul3A_103 = arith.muli %scan3A_100, %mul3A_102 : i32
        %swap3A = arith.index_cast %scan3A_91 : i32 to index
        %swap3A_104 = arith.index_cast %mul3A_103 : i32 to index
        %swap3A_105 = tpu.vector_load %arg9[%swap3A, %swap3A_104] {strides = array<i32>} : memref<128x128xf32, #tpu.memory_space<vmem>>, vector<1x16xf32>,
        %swap3A_106 = vector.shape_cast %swap3A_105 : vector<1x16xf32> to vector<16xf32>
        %swap3A_107 = vector.shape_cast %broadcast_in_dim3A_15 : vector<16xf32> to vector<1x16xf32>
        tpu.vector_store %arg9[%swap3A, %swap3A_104], %swap3A_107 {strides = array<i32>} : memref<128x128xf32, #tpu.memory_space<vmem>>, vector<1x16xf32>,
        %scan3A_108 = arith.constant 0 : i32
        scf.yield %scan3A_108 : i32
      }
      %scan3A_99 = arith.constant 8 : i32
      scf.yield %scan3A_98 : i32
    }
    %scan3A_21 = arith.constant 128 : i32
    %mul3A = arith.constant 632 : i32
    %mul3A_22 = arith.muli %arg1, %mul3A : i32
    %add3A = arith.constant 0 : i32
    %add3A_23 = arith.addi %arg1, %add3A : i32
    %lt3A = arith.constant 79 : i32
    %lt3A_24 = arith.cmpi slt, %add3A_23, %lt3A : i32
    %convert_element_type3A = arith.extui %lt3A_24 : i1 to i32
    %cond3A = arith.constant 0 : i32
    %cond3A_25 = arith.cmpi ne, %convert_element_type3A, %cond3A : i32
    scf.if %cond3A_25 {
      %mul3A_91 = arith.constant 128 : i32
      %mul3A_92 = arith.muli %add3A_23, %mul3A_91 : i32
      "tpu.region"() ({
        %run_scoped3A_93 = tpu.sem_alloc : memref<!tpu.dma_semaphore, #tpu.memory_space<semaphore_mem>>
        %dma_start3A_94 = arith.constant 0 : i32
        %dma_start3A_95 = tpu.memref_slice %arg6[%mul3A_92, %dma_start3A_94] : memref<10112x128xf32, #tpu.memory_space<vmem_shared>> -> memref<128x128xf32, #tpu.memory_space<vmem_shared>>
        %dma_start3A_96 = arith.constant 0 : i32
        %dma_start3A_97 = tpu.memref_slice %arg6[%mul3A_92, %dma_start3A_96] : memref<10112x128xf32, #tpu.memory_space<vmem_shared>> -> memref<128x128xf32, #tpu.memory_space<vmem_shared>>
        tpu.enqueue_dma source(%arg9 : memref<128x128xf32, #tpu.memory_space<vmem>>) target(%dma_start3A_97 : memref<128x128xf32, #tpu.memory_space<vmem_shared>>) target_semaphore(%run_scoped3A_93 : memref<!tpu.dma_semaphore, #tpu.memory_space<semaphore_mem>>)
        %dma_wait3A_98 = arith.constant 0 : i32
        %dma_wait3A_99 = tpu.memref_slice %arg6[%mul3A_92, %dma_wait3A_98] : memref<10112x128xf32, #tpu.memory_space<vmem_shared>> -> memref<128x128xf32, #tpu.memory_space<vmem_shared>>
        %dma_wait3A_100 = arith.constant 0 : i32
        %dma_wait3A_101 = tpu.memref_slice %arg6[%mul3A_92, %dma_wait3A_100] : memref<10112x128xf32, #tpu.memory_space<vmem_shared>> -> memref<128x128xf32, #tpu.memory_space<vmem_shared>>
        tpu.wait_dma2 semaphore(%run_scoped3A_93 : memref<!tpu.dma_semaphore, #tpu.memory_space<semaphore_mem>>) src(%arg9 : memref<128x128xf32, #tpu.memory_space<vmem>>) dst(%dma_wait3A_101 : memref<128x128xf32, #tpu.memory_space<vmem_shared>>)
        tpu.yield
      }) : () -> ()
    } else {
    }
    %add3A_26 = arith.constant 16 : i32
    %add3A_27 = arith.addi %arg1, %add3A_26 : i32
    %lt3A_28 = arith.constant 79 : i32
    %lt3A_29 = arith.cmpi slt, %add3A_27, %lt3A_28 : i32
    %convert_element_type3A_30 = arith.extui %lt3A_29 : i1 to i32
    %cond3A_31 = arith.constant 0 : i32
    %cond3A_32 = arith.cmpi ne, %convert_element_type3A_30, %cond3A_31 : i32
    scf.if %cond3A_32 {
      %mul3A_91 = arith.constant 128 : i32
      %mul3A_92 = arith.muli %add3A_27, %mul3A_91 : i32
      "tpu.region"() ({
        %run_scoped3A_93 = tpu.sem_alloc : memref<!tpu.dma_semaphore, #tpu.memory_space<semaphore_mem>>
        %dma_start3A_94 = arith.constant 0 : i32
        %dma_start3A_95 = tpu.memref_slice %arg6[%mul3A_92, %dma_start3A_94] : memref<10112x128xf32, #tpu.memory_space<vmem_shared>> -> memref<128x128xf32, #tpu.memory_space<vmem_shared>>
        %dma_start3A_96 = arith.constant 0 : i32
        %dma_start3A_97 = tpu.memref_slice %arg6[%mul3A_92, %dma_start3A_96] : memref<10112x128xf32, #tpu.memory_space<vmem_shared>> -> memref<128x128xf32, #tpu.memory_space<vmem_shared>>
        tpu.enqueue_dma source(%arg9 : memref<128x128xf32, #tpu.memory_space<vmem>>) target(%dma_start3A_97 : memref<128x128xf32, #tpu.memory_space<vmem_shared>>) target_semaphore(%run_scoped3A_93 : memref<!tpu.dma_semaphore, #tpu.memory_space<semaphore_mem>>)
        %dma_wait3A_98 = arith.constant 0 : i32
        %dma_wait3A_99 = tpu.memref_slice %arg6[%mul3A_92, %dma_wait3A_98] : memref<10112x128xf32, #tpu.memory_space<vmem_shared>> -> memref<128x128xf32, #tpu.memory_space<vmem_shared>>
        %dma_wait3A_100 = arith.constant 0 : i32
        %dma_wait3A_101 = tpu.memref_slice %arg6[%mul3A_92, %dma_wait3A_100] : memref<10112x128xf32, #tpu.memory_space<vmem_shared>> -> memref<128x128xf32, #tpu.memory_space<vmem_shared>>
        tpu.wait_dma2 semaphore(%run_scoped3A_93 : memref<!tpu.dma_semaphore, #tpu.memory_space<semaphore_mem>>) src(%arg9 : memref<128x128xf32, #tpu.memory_space<vmem>>) dst(%dma_wait3A_101 : memref<128x128xf32, #tpu.memory_space<vmem_shared>>)
        tpu.yield
      }) : () -> ()
    } else {
    }
    %add3A_33 = arith.constant 32 : i32
    %add3A_34 = arith.addi %arg1, %add3A_33 : i32
    %lt3A_35 = arith.constant 79 : i32
    %lt3A_36 = arith.cmpi slt, %add3A_34, %lt3A_35 : i32
    %convert_element_type3A_37 = arith.extui %lt3A_36 : i1 to i32
    %cond3A_38 = arith.constant 0 : i32
    %cond3A_39 = arith.cmpi ne, %convert_element_type3A_37, %cond3A_38 : i32
    scf.if %cond3A_39 {
      %mul3A_91 = arith.constant 128 : i32
      %mul3A_92 = arith.muli %add3A_34, %mul3A_91 : i32
      "tpu.region"() ({
        %run_scoped3A_93 = tpu.sem_alloc : memref<!tpu.dma_semaphore, #tpu.memory_space<semaphore_mem>>
        %dma_start3A_94 = arith.constant 0 : i32
        %dma_start3A_95 = tpu.memref_slice %arg6[%mul3A_92, %dma_start3A_94] : memref<10112x128xf32, #tpu.memory_space<vmem_shared>> -> memref<128x128xf32, #tpu.memory_space<vmem_shared>>
        %dma_start3A_96 = arith.constant 0 : i32
        %dma_start3A_97 = tpu.memref_slice %arg6[%mul3A_92, %dma_start3A_96] : memref<10112x128xf32, #tpu.memory_space<vmem_shared>> -> memref<128x128xf32, #tpu.memory_space<vmem_shared>>
        tpu.enqueue_dma source(%arg9 : memref<128x128xf32, #tpu.memory_space<vmem>>) target(%dma_start3A_97 : memref<128x128xf32, #tpu.memory_space<vmem_shared>>) target_semaphore(%run_scoped3A_93 : memref<!tpu.dma_semaphore, #tpu.memory_space<semaphore_mem>>)
        %dma_wait3A_98 = arith.constant 0 : i32
        %dma_wait3A_99 = tpu.memref_slice %arg6[%mul3A_92, %dma_wait3A_98] : memref<10112x128xf32, #tpu.memory_space<vmem_shared>> -> memref<128x128xf32, #tpu.memory_space<vmem_shared>>
        %dma_wait3A_100 = arith.constant 0 : i32
        %dma_wait3A_101 = tpu.memref_slice %arg6[%mul3A_92, %dma_wait3A_100] : memref<10112x128xf32, #tpu.memory_space<vmem_shared>> -> memref<128x128xf32, #tpu.memory_space<vmem_shared>>
        tpu.wait_dma2 semaphore(%run_scoped3A_93 : memref<!tpu.dma_semaphore, #tpu.memory_space<semaphore_mem>>) src(%arg9 : memref<128x128xf32, #tpu.memory_space<vmem>>) dst(%dma_wait3A_101 : memref<128x128xf32, #tpu.memory_space<vmem_shared>>)
        tpu.yield
      }) : () -> ()
    } else {
    }
    %add3A_40 = arith.constant 48 : i32
    %add3A_41 = arith.addi %arg1, %add3A_40 : i32
    %lt3A_42 = arith.constant 79 : i32
    %lt3A_43 = arith.cmpi slt, %add3A_41, %lt3A_42 : i32
    %convert_element_type3A_44 = arith.extui %lt3A_43 : i1 to i32
    %cond3A_45 = arith.constant 0 : i32
    %cond3A_46 = arith.cmpi ne, %convert_element_type3A_44, %cond3A_45 : i32
    scf.if %cond3A_46 {
      %mul3A_91 = arith.constant 128 : i32
      %mul3A_92 = arith.muli %add3A_41, %mul3A_91 : i32
      "tpu.region"() ({
        %run_scoped3A_93 = tpu.sem_alloc : memref<!tpu.dma_semaphore, #tpu.memory_space<semaphore_mem>>
        %dma_start3A_94 = arith.constant 0 : i32
        %dma_start3A_95 = tpu.memref_slice %arg6[%mul3A_92, %dma_start3A_94] : memref<10112x128xf32, #tpu.memory_space<vmem_shared>> -> memref<128x128xf32, #tpu.memory_space<vmem_shared>>
        %dma_start3A_96 = arith.constant 0 : i32
        %dma_start3A_97 = tpu.memref_slice %arg6[%mul3A_92, %dma_start3A_96] : memref<10112x128xf32, #tpu.memory_space<vmem_shared>> -> memref<128x128xf32, #tpu.memory_space<vmem_shared>>
        tpu.enqueue_dma source(%arg9 : memref<128x128xf32, #tpu.memory_space<vmem>>) target(%dma_start3A_97 : memref<128x128xf32, #tpu.memory_space<vmem_shared>>) target_semaphore(%run_scoped3A_93 : memref<!tpu.dma_semaphore, #tpu.memory_space<semaphore_mem>>)
        %dma_wait3A_98 = arith.constant 0 : i32
        %dma_wait3A_99 = tpu.memref_slice %arg6[%mul3A_92, %dma_wait3A_98] : memref<10112x128xf32, #tpu.memory_space<vmem_shared>> -> memref<128x128xf32, #tpu.memory_space<vmem_shared>>
        %dma_wait3A_100 = arith.constant 0 : i32
        %dma_wait3A_101 = tpu.memref_slice %arg6[%mul3A_92, %dma_wait3A_100] : memref<10112x128xf32, #tpu.memory_space<vmem_shared>> -> memref<128x128xf32, #tpu.memory_space<vmem_shared>>
        tpu.wait_dma2 semaphore(%run_scoped3A_93 : memref<!tpu.dma_semaphore, #tpu.memory_space<semaphore_mem>>) src(%arg9 : memref<128x128xf32, #tpu.memory_space<vmem>>) dst(%dma_wait3A_101 : memref<128x128xf32, #tpu.memory_space<vmem_shared>>)
        tpu.yield
      }) : () -> ()
    } else {
    }
    %add3A_47 = arith.constant 64 : i32
    %add3A_48 = arith.addi %arg1, %add3A_47 : i32
    %lt3A_49 = arith.constant 79 : i32
    %lt3A_50 = arith.cmpi slt, %add3A_48, %lt3A_49 : i32
    %convert_element_type3A_51 = arith.extui %lt3A_50 : i1 to i32
    %cond3A_52 = arith.constant 0 : i32
    %cond3A_53 = arith.cmpi ne, %convert_element_type3A_51, %cond3A_52 : i32
    scf.if %cond3A_53 {
      %mul3A_91 = arith.constant 128 : i32
      %mul3A_92 = arith.muli %add3A_48, %mul3A_91 : i32
      "tpu.region"() ({
        %run_scoped3A_93 = tpu.sem_alloc : memref<!tpu.dma_semaphore, #tpu.memory_space<semaphore_mem>>
        %dma_start3A_94 = arith.constant 0 : i32
        %dma_start3A_95 = tpu.memref_slice %arg6[%mul3A_92, %dma_start3A_94] : memref<10112x128xf32, #tpu.memory_space<vmem_shared>> -> memref<128x128xf32, #tpu.memory_space<vmem_shared>>
        %dma_start3A_96 = arith.constant 0 : i32
        %dma_start3A_97 = tpu.memref_slice %arg6[%mul3A_92, %dma_start3A_96] : memref<10112x128xf32, #tpu.memory_space<vmem_shared>> -> memref<128x128xf32, #tpu.memory_space<vmem_shared>>
        tpu.enqueue_dma source(%arg9 : memref<128x128xf32, #tpu.memory_space<vmem>>) target(%dma_start3A_97 : memref<128x128xf32, #tpu.memory_space<vmem_shared>>) target_semaphore(%run_scoped3A_93 : memref<!tpu.dma_semaphore, #tpu.memory_space<semaphore_mem>>)
        %dma_wait3A_98 = arith.constant 0 : i32
        %dma_wait3A_99 = tpu.memref_slice %arg6[%mul3A_92, %dma_wait3A_98] : memref<10112x128xf32, #tpu.memory_space<vmem_shared>> -> memref<128x128xf32, #tpu.memory_space<vmem_shared>>
        %dma_wait3A_100 = arith.constant 0 : i32
        %dma_wait3A_101 = tpu.memref_slice %arg6[%mul3A_92, %dma_wait3A_100] : memref<10112x128xf32, #tpu.memory_space<vmem_shared>> -> memref<128x128xf32, #tpu.memory_space<vmem_shared>>
        tpu.wait_dma2 semaphore(%run_scoped3A_93 : memref<!tpu.dma_semaphore, #tpu.memory_space<semaphore_mem>>) src(%arg9 : memref<128x128xf32, #tpu.memory_space<vmem>>) dst(%dma_wait3A_101 : memref<128x128xf32, #tpu.memory_space<vmem_shared>>)
        tpu.yield
      }) : () -> ()
    } else {
    }
    %dma_wait3A = arith.constant 0 : i32
    %dma_wait3A_54 = arith.constant 0 : i32
    %dma_wait3A_55 = tpu.memref_slice %arg3[%arg0, %arg1, %dma_wait3A, %dma_wait3A_54] : memref<2x16x79x128xi32, #tpu.memory_space<hbm>> -> memref<1x1x79x128xi32, #tpu.memory_space<hbm>>
    %dma_wait3A_56 = tpu.memref_squeeze %dma_wait3A_55 : memref<1x1x79x128xi32, #tpu.memory_space<hbm>> -> memref<79x128xi32, #tpu.memory_space<hbm>>
    %dma_wait3A_57 = arith.constant 0 : i32
    %dma_wait3A_58 = arith.constant 0 : i32
    %dma_wait3A_59 = tpu.memref_slice %arg3[%arg0, %arg1, %dma_wait3A_57, %dma_wait3A_58] : memref<2x16x79x128xi32, #tpu.memory_space<hbm>> -> memref<1x1x79x128xi32, #tpu.memory_space<hbm>>
    %dma_wait3A_60 = tpu.memref_squeeze %dma_wait3A_59 : memref<1x1x79x128xi32, #tpu.memory_space<hbm>> -> memref<79x128xi32, #tpu.memory_space<hbm>>
    tpu.wait_dma2 semaphore(%arg11 : memref<!tpu.dma_semaphore, #tpu.memory_space<semaphore_mem>>) src(%dma_wait3A_60 : memref<79x128xi32, #tpu.memory_space<hbm>>) dst(%arg7 : memref<79x128xi32, #tpu.memory_space<vmem>>)
    %dma_wait3A_61 = arith.constant 0 : i32
    %dma_wait3A_62 = arith.constant 0 : i32
    %dma_wait3A_63 = tpu.memref_slice %arg4[%arg0, %arg1, %dma_wait3A_61, %dma_wait3A_62] : memref<2x16x79x128xi32, #tpu.memory_space<hbm>> -> memref<1x1x79x128xi32, #tpu.memory_space<hbm>>
    %dma_wait3A_64 = tpu.memref_squeeze %dma_wait3A_63 : memref<1x1x79x128xi32, #tpu.memory_space<hbm>> -> memref<79x128xi32, #tpu.memory_space<hbm>>
    %dma_wait3A_65 = arith.constant 0 : i32
    %dma_wait3A_66 = arith.constant 0 : i32
    %dma_wait3A_67 = tpu.memref_slice %arg4[%arg0, %arg1, %dma_wait3A_65, %dma_wait3A_66] : memref<2x16x79x128xi32, #tpu.memory_space<hbm>> -> memref<1x1x79x128xi32, #tpu.memory_space<hbm>>
    %dma_wait3A_68 = tpu.memref_squeeze %dma_wait3A_67 : memref<1x1x79x128xi32, #tpu.memory_space<hbm>> -> memref<79x128xi32, #tpu.memory_space<hbm>>
    tpu.wait_dma2 semaphore(%arg11 : memref<!tpu.dma_semaphore, #tpu.memory_space<semaphore_mem>>) src(%dma_wait3A_68 : memref<79x128xi32, #tpu.memory_space<hbm>>) dst(%arg8 : memref<79x128xi32, #tpu.memory_space<vmem>>)
    %barrier3A = arith.constant 0 : index
    tpu.barrier barrier_id(%barrier3A)
    %scan3A_69 = arith.constant 0 : i32
    %scan3A_70 = arith.constant 0 : i32
    %scan3A_71 = arith.constant 39 : i32
    %scan3A_72 = arith.addi %scan3A_70, %scan3A_71 : i32
    %scan3A_73 = arith.constant 1 : i32
    %scan3A_74 = scf.for %scan3A_91 = %scan3A_70 to %scan3A_72 step %scan3A_73 iter_args(%scan3A_92 = %scan3A_69) -> (i32)  : i32 {
      %mul3A_93 = arith.constant 2 : i32
      %mul3A_94 = arith.muli %scan3A_91, %mul3A_93 : i32
      %dma_start3A_95 = arith.constant 0 : i32
      %dma_start3A_96 = tpu.memref_slice %arg7[%mul3A_94, %dma_start3A_95] : memref<79x128xi32, #tpu.memory_space<vmem>> -> memref<1x128xi32, #tpu.memory_space<vmem>>
      %dma_start3A_97 = tpu.memref_squeeze %dma_start3A_96 : memref<1x128xi32, #tpu.memory_space<vmem>> -> memref<128xi32, #tpu.memory_space<vmem>>
      %dma_start3A_98 = arith.constant 0 : i32
      %dma_start3A_99 = arith.constant 0 : i32
      %dma_start3A_100 = tpu.memref_slice %arg2[%dma_start3A_98, %dma_start3A_99] : memref<10000x128xf32, #tpu.memory_space<hbm>> -> memref<10000x128xf32, #tpu.memory_space<hbm>>
      tpu.enqueue_indirect_dma source(%dma_start3A_100 : memref<10000x128xf32, #tpu.memory_space<hbm>>) target(%arg9 : memref<128x128xf32, #tpu.memory_space<vmem>>) offsets(%dma_start3A_97 : memref<128xi32, #tpu.memory_space<vmem>>) semaphore(%arg10 : memref<!tpu.dma_semaphore, #tpu.memory_space<semaphore_mem>>)
      %dma_wait3A_101 = arith.constant 0 : i32
      %dma_wait3A_102 = tpu.memref_slice %arg7[%mul3A_94, %dma_wait3A_101] : memref<79x128xi32, #tpu.memory_space<vmem>> -> memref<1x128xi32, #tpu.memory_space<vmem>>
      %dma_wait3A_103 = tpu.memref_squeeze %dma_wait3A_102 : memref<1x128xi32, #tpu.memory_space<vmem>> -> memref<128xi32, #tpu.memory_space<vmem>>
      %dma_wait3A_104 = arith.constant 0 : i32
      %dma_wait3A_105 = arith.constant 0 : i32
      %dma_wait3A_106 = tpu.memref_slice %arg2[%dma_wait3A_104, %dma_wait3A_105] : memref<10000x128xf32, #tpu.memory_space<hbm>> -> memref<10000x128xf32, #tpu.memory_space<hbm>>
      tpu.wait_indirect_dma semaphore(%arg10 : memref<!tpu.dma_semaphore, #tpu.memory_space<semaphore_mem>>) src(%dma_wait3A_106 : memref<10000x128xf32, #tpu.memory_space<hbm>>) dst(%arg9 : memref<128x128xf32, #tpu.memory_space<vmem>>)
      "tpu.region"() ({
        %run_scoped3A_124 = tpu.sem_alloc : memref<!tpu.dma_semaphore, #tpu.memory_space<semaphore_mem>>
        %dma_start3A_125 = arith.constant 0 : i32
        %dma_start3A_126 = tpu.memref_slice %arg8[%mul3A_94, %dma_start3A_125] : memref<79x128xi32, #tpu.memory_space<vmem>> -> memref<1x128xi32, #tpu.memory_space<vmem>>
        %dma_start3A_127 = tpu.memref_squeeze %dma_start3A_126 : memref<1x128xi32, #tpu.memory_space<vmem>> -> memref<128xi32, #tpu.memory_space<vmem>>
        %dma_start3A_128 = arith.constant 0 : i32
        %dma_start3A_129 = arith.constant 0 : i32
        %dma_start3A_130 = tpu.memref_slice %arg6[%dma_start3A_128, %dma_start3A_129] : memref<10112x128xf32, #tpu.memory_space<vmem_shared>> -> memref<10112x128xf32, #tpu.memory_space<vmem_shared>>
        tpu.enqueue_indirect_dma source(%arg9 : memref<128x128xf32, #tpu.memory_space<vmem>>) target(%dma_start3A_130 : memref<10112x128xf32, #tpu.memory_space<vmem_shared>>) offsets(%dma_start3A_127 : memref<128xi32, #tpu.memory_space<vmem>>) semaphore(%run_scoped3A_124 : memref<!tpu.dma_semaphore, #tpu.memory_space<semaphore_mem>>) {add = true}
        %dma_wait3A_131 = arith.constant 0 : i32
        %dma_wait3A_132 = tpu.memref_slice %arg8[%mul3A_94, %dma_wait3A_131] : memref<79x128xi32, #tpu.memory_space<vmem>> -> memref<1x128xi32, #tpu.memory_space<vmem>>
        %dma_wait3A_133 = tpu.memref_squeeze %dma_wait3A_132 : memref<1x128xi32, #tpu.memory_space<vmem>> -> memref<128xi32, #tpu.memory_space<vmem>>
        %dma_wait3A_134 = arith.constant 0 : i32
        %dma_wait3A_135 = arith.constant 0 : i32
        %dma_wait3A_136 = tpu.memref_slice %arg6[%dma_wait3A_134, %dma_wait3A_135] : memref<10112x128xf32, #tpu.memory_space<vmem_shared>> -> memref<10112x128xf32, #tpu.memory_space<vmem_shared>>
        tpu.wait_indirect_dma semaphore(%run_scoped3A_124 : memref<!tpu.dma_semaphore, #tpu.memory_space<semaphore_mem>>) src(%arg9 : memref<128x128xf32, #tpu.memory_space<vmem>>) dst(%dma_wait3A_136 : memref<10112x128xf32, #tpu.memory_space<vmem_shared>>)
        tpu.yield
      }) : () -> ()
      %mul3A_107 = arith.constant 2 : i32
      %mul3A_108 = arith.muli %scan3A_91, %mul3A_107 : i32
      %add3A_109 = arith.constant 1 : i32
      %add3A_110 = arith.addi %mul3A_108, %add3A_109 : i32
      %dma_start3A_111 = arith.constant 0 : i32
      %dma_start3A_112 = tpu.memref_slice %arg7[%add3A_110, %dma_start3A_111] : memref<79x128xi32, #tpu.memory_space<vmem>> -> memref<1x128xi32, #tpu.memory_space<vmem>>
      %dma_start3A_113 = tpu.memref_squeeze %dma_start3A_112 : memref<1x128xi32, #tpu.memory_space<vmem>> -> memref<128xi32, #tpu.memory_space<vmem>>
      %dma_start3A_114 = arith.constant 0 : i32
      %dma_start3A_115 = arith.constant 0 : i32
      %dma_start3A_116 = tpu.memref_slice %arg2[%dma_start3A_114, %dma_start3A_115] : memref<10000x128xf32, #tpu.memory_space<hbm>> -> memref<10000x128xf32, #tpu.memory_space<hbm>>
      tpu.enqueue_indirect_dma source(%dma_start3A_116 : memref<10000x128xf32, #tpu.memory_space<hbm>>) target(%arg9 : memref<128x128xf32, #tpu.memory_space<vmem>>) offsets(%dma_start3A_113 : memref<128xi32, #tpu.memory_space<vmem>>) semaphore(%arg10 : memref<!tpu.dma_semaphore, #tpu.memory_space<semaphore_mem>>)
      %dma_wait3A_117 = arith.constant 0 : i32
      %dma_wait3A_118 = tpu.memref_slice %arg7[%add3A_110, %dma_wait3A_117] : memref<79x128xi32, #tpu.memory_space<vmem>> -> memref<1x128xi32, #tpu.memory_space<vmem>>
      %dma_wait3A_119 = tpu.memref_squeeze %dma_wait3A_118 : memref<1x128xi32, #tpu.memory_space<vmem>> -> memref<128xi32, #tpu.memory_space<vmem>>
      %dma_wait3A_120 = arith.constant 0 : i32
      %dma_wait3A_121 = arith.constant 0 : i32
      %dma_wait3A_122 = tpu.memref_slice %arg2[%dma_wait3A_120, %dma_wait3A_121] : memref<10000x128xf32, #tpu.memory_space<hbm>> -> memref<10000x128xf32, #tpu.memory_space<hbm>>
      tpu.wait_indirect_dma semaphore(%arg10 : memref<!tpu.dma_semaphore, #tpu.memory_space<semaphore_mem>>) src(%dma_wait3A_122 : memref<10000x128xf32, #tpu.memory_space<hbm>>) dst(%arg9 : memref<128x128xf32, #tpu.memory_space<vmem>>)
      "tpu.region"() ({
        %run_scoped3A_124 = tpu.sem_alloc : memref<!tpu.dma_semaphore, #tpu.memory_space<semaphore_mem>>
        %dma_start3A_125 = arith.constant 0 : i32
        %dma_start3A_126 = tpu.memref_slice %arg8[%add3A_110, %dma_start3A_125] : memref<79x128xi32, #tpu.memory_space<vmem>> -> memref<1x128xi32, #tpu.memory_space<vmem>>
        %dma_start3A_127 = tpu.memref_squeeze %dma_start3A_126 : memref<1x128xi32, #tpu.memory_space<vmem>> -> memref<128xi32, #tpu.memory_space<vmem>>
        %dma_start3A_128 = arith.constant 0 : i32
        %dma_start3A_129 = arith.constant 0 : i32
        %dma_start3A_130 = tpu.memref_slice %arg6[%dma_start3A_128, %dma_start3A_129] : memref<10112x128xf32, #tpu.memory_space<vmem_shared>> -> memref<10112x128xf32, #tpu.memory_space<vmem_shared>>
        tpu.enqueue_indirect_dma source(%arg9 : memref<128x128xf32, #tpu.memory_space<vmem>>) target(%dma_start3A_130 : memref<10112x128xf32, #tpu.memory_space<vmem_shared>>) offsets(%dma_start3A_127 : memref<128xi32, #tpu.memory_space<vmem>>) semaphore(%run_scoped3A_124 : memref<!tpu.dma_semaphore, #tpu.memory_space<semaphore_mem>>) {add = true}
        %dma_wait3A_131 = arith.constant 0 : i32
        %dma_wait3A_132 = tpu.memref_slice %arg8[%add3A_110, %dma_wait3A_131] : memref<79x128xi32, #tpu.memory_space<vmem>> -> memref<1x128xi32, #tpu.memory_space<vmem>>
        %dma_wait3A_133 = tpu.memref_squeeze %dma_wait3A_132 : memref<1x128xi32, #tpu.memory_space<vmem>> -> memref<128xi32, #tpu.memory_space<vmem>>
        %dma_wait3A_134 = arith.constant 0 : i32
        %dma_wait3A_135 = arith.constant 0 : i32
        %dma_wait3A_136 = tpu.memref_slice %arg6[%dma_wait3A_134, %dma_wait3A_135] : memref<10112x128xf32, #tpu.memory_space<vmem_shared>> -> memref<10112x128xf32, #tpu.memory_space<vmem_shared>>
        tpu.wait_indirect_dma semaphore(%run_scoped3A_124 : memref<!tpu.dma_semaphore, #tpu.memory_space<semaphore_mem>>) src(%arg9 : memref<128x128xf32, #tpu.memory_space<vmem>>) dst(%dma_wait3A_136 : memref<10112x128xf32, #tpu.memory_space<vmem_shared>>)
        tpu.yield
      }) : () -> ()
      %scan3A_123 = arith.constant 0 : i32
      scf.yield %scan3A_123 : i32
    }
    %scan3A_75 = arith.constant 39 : i32
    %dma_start3A_76 = arith.constant 78 : i32
    %dma_start3A_77 = arith.constant 0 : i32
    %dma_start3A_78 = tpu.memref_slice %arg7[%dma_start3A_76, %dma_start3A_77] : memref<79x128xi32, #tpu.memory_space<vmem>> -> memref<1x128xi32, #tpu.memory_space<vmem>>
    %dma_start3A_79 = tpu.memref_squeeze %dma_start3A_78 : memref<1x128xi32, #tpu.memory_space<vmem>> -> memref<128xi32, #tpu.memory_space<vmem>>
    %dma_start3A_80 = arith.constant 0 : i32
    %dma_start3A_81 = arith.constant 0 : i32
    %dma_start3A_82 = tpu.memref_slice %arg2[%dma_start3A_80, %dma_start3A_81] : memref<10000x128xf32, #tpu.memory_space<hbm>> -> memref<10000x128xf32, #tpu.memory_space<hbm>>
    tpu.enqueue_indirect_dma source(%dma_start3A_82 : memref<10000x128xf32, #tpu.memory_space<hbm>>) target(%arg9 : memref<128x128xf32, #tpu.memory_space<vmem>>) offsets(%dma_start3A_79 : memref<128xi32, #tpu.memory_space<vmem>>) semaphore(%arg10 : memref<!tpu.dma_semaphore, #tpu.memory_space<semaphore_mem>>)
    %dma_wait3A_83 = arith.constant 78 : i32
    %dma_wait3A_84 = arith.constant 0 : i32
    %dma_wait3A_85 = tpu.memref_slice %arg7[%dma_wait3A_83, %dma_wait3A_84] : memref<79x128xi32, #tpu.memory_space<vmem>> -> memref<1x128xi32, #tpu.memory_space<vmem>>
    %dma_wait3A_86 = tpu.memref_squeeze %dma_wait3A_85 : memref<1x128xi32, #tpu.memory_space<vmem>> -> memref<128xi32, #tpu.memory_space<vmem>>
    %dma_wait3A_87 = arith.constant 0 : i32
    %dma_wait3A_88 = arith.constant 0 : i32
    %dma_wait3A_89 = tpu.memref_slice %arg2[%dma_wait3A_87, %dma_wait3A_88] : memref<10000x128xf32, #tpu.memory_space<hbm>> -> memref<10000x128xf32, #tpu.memory_space<hbm>>
    tpu.wait_indirect_dma semaphore(%arg10 : memref<!tpu.dma_semaphore, #tpu.memory_space<semaphore_mem>>) src(%dma_wait3A_89 : memref<10000x128xf32, #tpu.memory_space<hbm>>) dst(%arg9 : memref<128x128xf32, #tpu.memory_space<vmem>>)
    %run_scoped3A = arith.constant 78 : i32
    "tpu.region"() ({
      %run_scoped3A_91 = tpu.sem_alloc : memref<!tpu.dma_semaphore, #tpu.memory_space<semaphore_mem>>
      %dma_start3A_92 = arith.constant 0 : i32
      %dma_start3A_93 = tpu.memref_slice %arg8[%run_scoped3A, %dma_start3A_92] : memref<79x128xi32, #tpu.memory_space<vmem>> -> memref<1x128xi32, #tpu.memory_space<vmem>>
      %dma_start3A_94 = tpu.memref_squeeze %dma_start3A_93 : memref<1x128xi32, #tpu.memory_space<vmem>> -> memref<128xi32, #tpu.memory_space<vmem>>
      %dma_start3A_95 = arith.constant 0 : i32
      %dma_start3A_96 = arith.constant 0 : i32
      %dma_start3A_97 = tpu.memref_slice %arg6[%dma_start3A_95, %dma_start3A_96] : memref<10112x128xf32, #tpu.memory_space<vmem_shared>> -> memref<10112x128xf32, #tpu.memory_space<vmem_shared>>
      tpu.enqueue_indirect_dma source(%arg9 : memref<128x128xf32, #tpu.memory_space<vmem>>) target(%dma_start3A_97 : memref<10112x128xf32, #tpu.memory_space<vmem_shared>>) offsets(%dma_start3A_94 : memref<128xi32, #tpu.memory_space<vmem>>) semaphore(%run_scoped3A_91 : memref<!tpu.dma_semaphore, #tpu.memory_space<semaphore_mem>>) {add = true}
      %dma_wait3A_98 = arith.constant 0 : i32
      %dma_wait3A_99 = tpu.memref_slice %arg8[%run_scoped3A, %dma_wait3A_98] : memref<79x128xi32, #tpu.memory_space<vmem>> -> memref<1x128xi32, #tpu.memory_space<vmem>>
      %dma_wait3A_100 = tpu.memref_squeeze %dma_wait3A_99 : memref<1x128xi32, #tpu.memory_space<vmem>> -> memref<128xi32, #tpu.memory_space<vmem>>
      %dma_wait3A_101 = arith.constant 0 : i32
      %dma_wait3A_102 = arith.constant 0 : i32
      %dma_wait3A_103 = tpu.memref_slice %arg6[%dma_wait3A_101, %dma_wait3A_102] : memref<10112x128xf32, #tpu.memory_space<vmem_shared>> -> memref<10112x128xf32, #tpu.memory_space<vmem_shared>>
      tpu.wait_indirect_dma semaphore(%run_scoped3A_91 : memref<!tpu.dma_semaphore, #tpu.memory_space<semaphore_mem>>) src(%arg9 : memref<128x128xf32, #tpu.memory_space<vmem>>) dst(%dma_wait3A_103 : memref<10112x128xf32, #tpu.memory_space<vmem_shared>>)
      tpu.yield
    }) : () -> ()
    %barrier3A_90 = arith.constant 0 : index
    tpu.barrier barrier_id(%barrier3A_90)
    "tpu.region"() ({
      %run_scoped3A_91 = tpu.sem_alloc : memref<!tpu.dma_semaphore, #tpu.memory_space<semaphore_mem>>
      %dma_start3A_92 = arith.constant 0 : i32
      %dma_start3A_93 = tpu.memref_slice %arg5[%arg0, %mul3A_22, %dma_start3A_92] : memref<2x10112x128xf32, #tpu.memory_space<hbm>> -> memref<1x632x128xf32, #tpu.memory_space<hbm>>
      %dma_start3A_94 = tpu.memref_squeeze %dma_start3A_93 : memref<1x632x128xf32, #tpu.memory_space<hbm>> -> memref<632x128xf32, #tpu.memory_space<hbm>>
      %dma_start3A_95 = arith.constant 0 : i32
      %dma_start3A_96 = tpu.memref_slice %arg6[%mul3A_22, %dma_start3A_95] : memref<10112x128xf32, #tpu.memory_space<vmem_shared>> -> memref<632x128xf32, #tpu.memory_space<vmem_shared>>
      tpu.enqueue_dma source(%dma_start3A_96 : memref<632x128xf32, #tpu.memory_space<vmem_shared>>) target(%dma_start3A_94 : memref<632x128xf32, #tpu.memory_space<hbm>>) target_semaphore(%run_scoped3A_91 : memref<!tpu.dma_semaphore, #tpu.memory_space<semaphore_mem>>)
      %dma_wait3A_97 = arith.constant 0 : i32
      %dma_wait3A_98 = tpu.memref_slice %arg5[%arg0, %mul3A_22, %dma_wait3A_97] : memref<2x10112x128xf32, #tpu.memory_space<hbm>> -> memref<1x632x128xf32, #tpu.memory_space<hbm>>
      %dma_wait3A_99 = tpu.memref_squeeze %dma_wait3A_98 : memref<1x632x128xf32, #tpu.memory_space<hbm>> -> memref<632x128xf32, #tpu.memory_space<hbm>>
      %dma_wait3A_100 = arith.constant 0 : i32
      %dma_wait3A_101 = tpu.memref_slice %arg6[%mul3A_22, %dma_wait3A_100] : memref<10112x128xf32, #tpu.memory_space<vmem_shared>> -> memref<632x128xf32, #tpu.memory_space<vmem_shared>>
      tpu.wait_dma2 semaphore(%run_scoped3A_91 : memref<!tpu.dma_semaphore, #tpu.memory_space<semaphore_mem>>) src(%dma_wait3A_101 : memref<632x128xf32, #tpu.memory_space<vmem_shared>>) dst(%dma_wait3A_99 : memref<632x128xf32, #tpu.memory_space<hbm>>)
      tpu.yield
    }) : () -> ()
    return
  }
}

</mosaic_0001>

<sc_bundles>
// kernel: _sc_aggregate.3.cloned.1.call-start
scs
__scs_entry_jumppad:
0x0: {  	(pc) =	sbr.rel $0x88, $3  }
0x1: {  	(tag) =	ssettag $0x0;
	lr =	simm.s32 $0x1  }
0x2: {  	[smem:$0x3F9E] =	sst lr;
	_ =	strace $0xD0000000  }
0x3: {  	_ = 	snop  }
0x4: {  	_ = 	snop  }
0x5: {  	_ = 	snop  }
0x6: {  	_ = 	snop  }
0x7: {  	_ = 	snop  }
__scs_overlays_trampoline_lowered:
0x8: {  	[smem:$0x3FAD] =	sst s0  }
0x9: {  	[smem:$0x3FAE] =	sst s1  }
0xa: {  	[smem:$0x3FAF] =	sst s2  }
0xb: {  	[smem:$0x3FB0] =	sst s3  }
0xc: {  	[smem:$0x3FB1] =	sst s4  }
0xd: {  	[smem:$0x3FB2] =	sst s5  }
0xe: {  	[smem:$0x3FB3] =	sst s6  }
0xf: {  	[smem:$0x3FB4] =	sst s7  }
0x10: {  	[smem:$0x3FB5] =	sst s8  }
0x11: {  	[smem:$0x3FB6] =	sst s9;
	s0 =	simm.s32 @!p0 $0x0  }
0x12: {  	s1 =	sld [smem:$0x3F9C];
	s0 =	simm.s32 @p0 $0x1  }
0x13: {  	[smem:$0x3FB7] =	sst s0;
	s0 =	simm.s32 @!p1 $0x0  }
0x14: {  	s2 =	sld [smem:$0x3F9B];
	s0 =	simm.s32 @p1 $0x1  }
0x15: {  	[smem:$0x3FB8] =	sst s0;
	s0 =	simm.s32 @!p2 $0x0  }
0x16: {  	s3 =	sld [smem:$0x3FDB];
	s0 =	simm.s32 @p2 $0x1  }
0x17: {  	s4 =	simm.s32 $0x1BF5;
	[smem:$0x3FBA] =	sst s0  }
0x18: {  	s0 =	sld [smem:$0x3F9D];
	_ =	swait.ge [sflag:s4], $0x0  }
0x19: {  	s7 =	sld [smem:$0x3F9E]  }
0x1a: {  	s8 =	sadd.s32 $0xFFFFE003, lr  }
0x1b: {  	s9 =	sadd.s32 $0xFFFFFEF7, lr;
	s5 =	simm.s32 $0xFFFFFFFF;
	p2 =	slt.u32 s8, $0xFFFFF086  }
0x1c: {  	p1 =	slt.u32 s9, $0xF7A;
	s5 =	simm.s32 @!p2 $0x0  }
0x1d: {  	s5 =	simm.s32 @p1 $0x1;
	p0 =	seq.s32 s7, s2  }
0x1e: {  	s7 =	smul.u32 @!p0 $0xF7A, s2;
	p2 =	seq.s32 @!p0 s5, $0x0  }
0x1f: {  	s9 =	smul.u32 $0xF7A, s1;
	s8 =	simm.s32 @!p0 $0x1BF5;
	p2 =	por !p2, p0  }
0x20: {  	[sflag:s8] =	ssyncset.s32 @!p0 $0xFFFFF086;
	s6 =	sadd.s32 @!p0 s3, s7;
	s7 =	simm.s32 @!p0 $0x108  }
0x21: {  	s3 =	sadd.s32 s3, s9;
	s6 =	sadd.s32 @!p0 $0x88, s6;
	s7 =	simm.s32 @p2 $0x1082  }
0x22: {  	[simem:s7], [sflag:s8] =	dma.local @!p0 [hbm:s6], $0xF7A  }
0x23: {  	s9 =	sor.u32 $0xD0000000, s2;
	s6 =	simm.s32 $0x108;
	_ =	swait.ge @!p0 [sflag:s8], $0x0  }
0x24: {  	s3 =	sadd.s32 $0x88, s3;
	s6 =	simm.s32 @!p1 $0x1082;
	[sflag:s4] =	ssyncset.s32 $0xFFFFF086  }
0x25: {  	[simem:s6], [sflag:s4] =	dma.local [hbm:s3], $0xF7A  }
0x26: {  	[smem:$0x3F9E] =	sst s1;
	(tag) =	ssettag s2;
	_ =	strace s9  }
0x27: {  	s1 =	sld [smem:$0x3FAE]  }
0x28: {  	s2 =	sld [smem:$0x3FAF]  }
0x29: {  	s4 =	sld [smem:$0x3FB1]  }
0x2a: {  	p0 =	seq.s32 s5, $0x0;
	s5 =	sld [smem:$0x3FB2]  }
0x2b: {  	s6 =	sld [smem:$0x3FB3]  }
0x2c: {  	s7 =	sld [smem:$0x3FB4]  }
0x2d: {  	s3 =	simm.s32 $0x108;
	s8 =	sld [smem:$0x3FB5]  }
0x2e: {  	s3 =	simm.s32 @!p0 $0x1082;
	s9 =	sld [smem:$0x3FB6]  }
0x2f: {  	lr =	sadd.s32 s0, s3;
	s0 =	sld [smem:$0x3FAD]  }
0x30: {  	s3 =	sld [smem:$0x3FB0]  }
0x31: {  	[smem:$0x3FB9] =	sst s10  }
0x32: {  	s10 =	sld [smem:$0x3FB7];
	_ =	sdelay $0x3  }
0x33: {  	p0 =	seq.s32 s10, $0x1;
	s10 =	sld [smem:$0x3FB9];
	_ =	sdelay $0x3  }
0x34: {  	[smem:$0x3FB9] =	sst s10  }
0x35: {  	s10 =	sld [smem:$0x3FB8];
	_ =	sdelay $0x3  }
0x36: {  	p1 =	seq.s32 s10, $0x1;
	s10 =	sld [smem:$0x3FB9];
	_ =	sdelay $0x3  }
0x37: {  	[smem:$0x3FB9] =	sst s10  }
0x38: {  	s10 =	sld [smem:$0x3FBA]  }
0x39: {  	_ = 	snop;
	(pc) =	sbr.ind lr, $3  }
0x3a: {  	_ = 	snop  }
0x3b: {  	_ = 	snop  }
0x3c: {  	p2 =	seq.s32 s10, $0x1;
	s10 =	sld [smem:$0x3FB9]  }
0x3d: {  	_ =	shalt  }
0x3e: {  	_ =	shalt  }
0x3f: {  	_ =	shalt  }
0x40: {  	_ =	shalt  }
0x41: {  	_ =	shalt  }
0x42: {  	_ =	shalt  }
0x43: {  	_ =	shalt  }
0x44: {  	_ =	shalt  }
0x45: {  	_ =	shalt  }
0x46: {  	_ =	shalt  }
0x47: {  	_ =	shalt  }
0x48: {  	_ =	shalt  }
0x49: {  	_ =	shalt  }
0x4a: {  	_ =	shalt  }
0x4b: {  	_ =	shalt  }
0x4c: {  	_ =	shalt  }
0x4d: {  	_ =	shalt  }
0x4e: {  	_ =	shalt  }
0x4f: {  	_ =	shalt  }
0x50: {  	_ =	shalt  }
0x51: {  	_ =	shalt  }
0x52: {  	_ =	shalt  }
0x53: {  	_ =	shalt  }
0x54: {  	_ =	shalt  }
0x55: {  	_ =	shalt  }
0x56: {  	_ =	shalt  }
0x57: {  	_ =	shalt  }
0x58: {  	_ =	shalt  }
0x59: {  	_ =	shalt  }
0x5a: {  	_ =	shalt  }
0x5b: {  	_ =	shalt  }
0x5c: {  	_ =	shalt  }
0x5d: {  	_ =	shalt  }
0x5e: {  	_ =	shalt  }
0x5f: {  	_ =	shalt  }
0x60: {  	_ =	shalt  }
0x61: {  	_ =	shalt  }
0x62: {  	_ =	shalt  }
0x63: {  	_ =	shalt  }
0x64: {  	_ =	shalt  }
0x65: {  	_ =	shalt  }
0x66: {  	_ =	shalt  }
0x67: {  	_ =	shalt  }
0x68: {  	_ =	shalt  }
0x69: {  	_ =	shalt  }
0x6a: {  	_ =	shalt  }
0x6b: {  	_ =	shalt  }
0x6c: {  	_ =	shalt  }
0x6d: {  	_ =	shalt  }
0x6e: {  	_ =	shalt  }
0x6f: {  	_ =	shalt  }
0x70: {  	_ =	shalt  }
0x71: {  	_ =	shalt  }
0x72: {  	_ =	shalt  }
0x73: {  	_ =	shalt  }
0x74: {  	_ =	shalt  }
0x75: {  	_ =	shalt  }
0x76: {  	_ =	shalt  }
0x77: {  	_ =	shalt  }
0x78: {  	_ =	shalt  }
0x79: {  	_ =	shalt  }
0x7a: {  	_ =	shalt  }
0x7b: {  	_ =	shalt  }
0x7c: {  	_ =	shalt  }
0x7d: {  	_ =	shalt  }
0x7e: {  	_ =	shalt  }
0x7f: {  	_ =	shalt  }
0x80: {  	_ =	shalt  }
0x81: {  	_ =	shalt  }
0x82: {  	_ =	shalt  }
0x83: {  	_ =	shalt  }
0x84: {  	_ =	shalt  }
0x85: {  	_ =	shalt  }
0x86: {  	_ =	shalt  }
0x87: {  	_ =	shalt  }
.Lfunc_end0:
.L_simem_size_0:
called_computation_lowered:
.L_overlay_start_0:
0x88: {  	s2 =	sld [smem:$0x3FD9]  }
0x89: {  	s3 =	sld [smem:$0x3FFE];
	_ =	sdelay $0x1  }
0x8a: {  	s1 =	srdreg.scid  }
0x8b: {  	s0 =	sand.u32 $0x1, s1  }
0x8c: {  	s17 =	sshll.u32 s0, $0xA;
	s2 =	sadd.s32 s3, s2  }
0x8d: {  	s2 =	sadd.s32 s2, s17  }
0x8e: {  	[smem:$0x3FC5] =	sst s2  }
0x8f: {  	_ = 	snop  }
0x90: {  	s2 =	sld [smem:$0x3FC9]  }
0x91: {  	s18 =	sld [smem:$0x3FD0];
	(tm) =	ssettm $0x1  }
0x92: {  	s4 =	sld [smem:$0x3FFB];
	_ =	sdelay $0x3  }
0x93: {  	_ =	strace s4  }
0x94: {  	s4 =	sld [smem:$0x3FFC];
	_ =	sdelay $0x3  }
0x95: {  	_ =	strace s4  }
0x96: {  	s4 =	sld [smem:$0x3FFD];
	_ =	sdelay $0x3  }
0x97: {  	_ =	strace s4  }
0x98: {  	_ =	strace $0x8FFFFFFF  }
0x99: {  	s19 =	sld [smem:$0x3FDB];
	_ =	sdelay $0x1  }
0x9a: {  	s5 =	simm.s32 $_scs_section_size  }
0x9b: {  	s6 =	simm.s32 $_size__tile_overlayer_lowered;
	s7 =	simm.s32 $_tile_overlayer_lowered  }
0x9c: {  	s22 =	simm.s32 $0x1BFF;
	s21 =	sshll.u32 s7, $0x1;
	s4 =	sadd.s32 s5, s19  }
0x9d: {  	s8 =	simm.s32 $0x0;
	s20 =	sshll.u32 s6, $0x1;
	s6 =	sadd.s32 s21, s4  }
0x9e: {  	[timem:s8], [sflag:s22] =	dma.local [hbm:s6], s20  }
0x9f: {  	_ =	swait.ge [sflag:s22], s20  }
0xa0: {  	s5 =	ssub.s32 $0x0, s20;
	[sflag:s22] =	ssyncset.done $0x0  }
0xa1: {  	[sflag:s22] =	ssyncadd.s32 s5;
	_ =	sdelay $0x1  }
0xa2: {  	s23 =	simm.s32 $0x1B8B  }
0xa3: {  	_ =	swait.ge [sflag:s23], $0x1  }
0xa4: {  	[sflag:s23] =	ssyncset.done $0x0  }
0xa5: {  	s25 =	simm.s32 $0x1B8E;
	s24 =	sld [smem:$0x3FFE];
	[sflag:s23] =	ssyncadd.s32 $0xFFFFFFFF  }
0xa6: {  	s26 =	simm.s32 $execute0_lowered;
	[smem:$0x3FD2] =	sst s25  }
0xa7: {  	s6 =	sshll.u32 s26, $0x1;
	_ =	strace $0x80000046;
	[dreg:$0x1] =	wrdreg $0xFFFFFFFF  }
0xa8: {  	s28 =	simm.s32 $_size_execute0_lowered;
	s4 =	sadd.s32 s4, s6;
	[dreg:$0x0] =	wrdreg $0x0  }
0xa9: {  	s6 =	sshll.u32 s28, $0x1;
	[dreg:$0x2] =	wrdreg s4  }
0xaa: {  	[dreg:$0x3] =	wrdreg s6  }
0xab: {  	[dreg:$0x4] =	wrdreg $0xC0  }
0xac: {  	_ =	task [dreg:s8], $0x5FFFF  }
0xad: {  	[dreg:$0x1] =	wrdreg $0xFFFFFFFF  }
0xae: {  	[dreg:$0x0] =	wrdreg $0x60  }
0xaf: {  	[dreg:$0x2] =	wrdreg s2  }
0xb0: {  	[dreg:$0x3] =	wrdreg s24  }
0xb1: {  	[dreg:$0x4] =	wrdreg s18  }
0xb2: {  	[dreg:$0x5] =	wrdreg $0x0  }
0xb3: {  	[dreg:$0x6] =	wrdreg $0x9  }
0xb4: {  	_ =	task.clear_ibuf [dreg:s8], $0x7FFFF;
	_ =	strace $0x90000046  }
0xb5: {  	s29 =	simm.s32 $0x9;
	_ =	strace $0x80000048  }
0xb6: {  	_ =	swait.ge [sflag:s29], $0x1  }
0xb7: {  	[sflag:s29] =	ssyncadd.s32 $0xFFFFFFFF  }
0xb8: {  	_ =	strace $0x90000048  }
0xb9: {  	_ =	sfence  }
0xba: {  	s30 =	sld [smem:$0x0];
	_ =	sdelay $0x2  }
0xbb: {  	s31 =	sshll.u32 s1, $0xD;
	s1 =	sshrl.u32 s1, $0x2  }
0xbc: {  	s3 =	sand.u32 $0x4000, s31;
	s1 =	sadd.s32 s1, s30  }
0xbd: {  	s0 =	sor.u32 s3, s0;
	s1 =	sshll.u32 s1, $0x11  }
0xbe: {  	s0 =	sor.u32 s1, s0  }
0xbf: {  	s0 =	sadd.s32 $0x8F2B, s0  }
0xc0: {  	[sflag:s0] =	ssyncadd.remote.s32 $0x1  }
0xc1: {  	_ =	sfence.sel $0xFFFF  }
0xc2: {  	[dreg:$0x0] =	wrdreg $0xFFFFFFFF;
	(pc) =	sbr.abs _section_cstart, $3  }
0xc3: {  	[dreg:$0x1] =	wrdreg $0xFFFFFFFF  }
0xc4: {  	_ =	task.clear_ibuf [dreg:s8], $0x2FFFF;
	_ =	strace $0x9FFFFFFF  }
0xc5: {  	(tm) =	ssettm $0x7FFFFFFF  }
tec
execute0_lowered:
.L_overlay_start_1:
0x0: {  	(tag) =	ssettag $0x1  }
0x1: {  	s0 =	rddreg [dreg:$0x0]  }
0x2: {  	s5 =	rddreg [dreg:$0x1]  }
0x3: {  	s12 =	rddreg [dreg:$0x2]  }
0x4: {  	s1 =	srdreg.scid;
	s3 =	rddreg [dreg:$0x3]  }
0x5: {  	s2 =	rddreg [dreg:$0x4];
	s4 =	simm.s32 $0x0;
	s16 =	simm.s32 $0x18C00  }
0x6: {  	s17 =	simm.s32 $0x3;
	s18 =	simm.s32 $0x2;
	s6 =	sand.u32 $0x1, s1  }
0x7: {  	s19 =	simm.s32 $0x80;
	s1 =	stileid.u32;
	s7 =	smul.u32 $0x28000, s6  }
0x8: {  	s20 =	simm.s32 $0x1;
	s21 =	simm.s32 $0x16300;
	s8 =	smul.u32 $0x2800, s1  }
0x9: {  	s22 =	simm.s32 $0x18B00;
	s25 =	simm.s32 $0x0;
	s10 =	smul.u32 $0x13C000, s6  }
0xa: {  	[smem:$0x7FF] =	sst s4;
	s30 =	ssub.s32 $0x2, s6;
	s11 =	smul.u32 $0x13C00, s1  }
0xb: {  	_ =	strace $0x80000047;
	s31 =	sshll.u32 s1, $0xE;
	s14 =	smul.u32 $0x4F000, s1  }
0xc: {  	p0 =	seq.s32 s1, $0xF;
	s23 =	sshll.u32 s1, $0x6;
	s9 =	sshrl.u32 s30, $0x1  }
0xd: {  	s23 =	sor.u32 $0x1C03, s23;
	s7 =	sadd.s32 s8, s7;
	s13 =	ssub.s32 s30, s9  }
0xe: {  	s11 =	sadd.s32 s11, s10;
	s14 =	sshrl.u32 s14, $0x2;
	s7 =	sshrl.u32 s7, $0x3  }
0xf: {  	s15 =	sshrl.u32 s11, $0x3;
	s24 =	sadd.s32 s14, s3;
	s13 =	smax.u32 s13, $0x1  }
0x10: {  	s14 =	simm.s32 $0x13C00;
	s7 =	sadd.s32 s7, s5;
	s12 =	sadd.s32 s12, s15  }
0x11: {  	s5 =	sadd.s32 $0x600, s7;
	s6 =	sadd.s32 $0xA600, s7;
	s7 =	sadd.s32 s31, s3  }
0x12: {  	s15 =	simm.s32 $0x16400;
	s24 =	sshrl.u32 s24, $0x3;
	s8 =	sadd.s32 $0x40000, s7  }
0x13: {  	v0 =	vimm.f32 $0.0e+00;
	s9 =	sadd.s32 $0x80000, s7;
	s10 =	sadd.s32 $0xC0000, s7;
	s11 =	sadd.s32 $0x100000, s7  }
.LBB2_1:
0x14: {  	[tilespmem:s14], [sflag:$0x2] =	stream.linear.gather [hbm4b:s5+s4], $0x2780, $0x38;
	[tilespmem:$0x1CC00] =	vst v63  }
0x15: {  	s26 =	simm.s32 $0x0;
	s28 =	simm.s32 $0x200  }
0x16: {  	[tilespmem:s15], [sflag:$0x2] =	stream.linear.gather [hbm4b:s6+s4], $0x2780, $0x38;
	[tilespmem:$0x1CC00] =	vst v63  }
.LBB2_2:
0x17: {  	p1 =	sne.s32 s28, $0xFE00;
	[tilespmem:s26+$0x18C70] =	vst v0  }
0x18: {  	[tilespmem:s26+$0x18C00] =	vst v0  }
0x19: {  	[tilespmem:s26+$0x18C10] =	vst v0  }
.Ltmp0:
0x1a: {  	[tilespmem:s26+$0x18C20] =	vst v0;
	(pc) =	sbr.rel @p1 .LBB2_2-.Ltmp0, $4  }
0x1b: {  	[tilespmem:s26+$0x18C30] =	vst v0  }
0x1c: {  	[tilespmem:s26+$0x18C40] =	vst v0  }
0x1d: {  	[tilespmem:s26+$0x18C50] =	vst v0  }
0x1e: {  	[tilespmem:s26+$0x18C60] =	vst v0;
	s26 =	sshra.s32 s28, $0x2;
	s28 =	sadd.s32 $0x200, s28  }
0x1f: {  	[tilespmem:s26+$0x18C70] =	vst v0  }
0x20: {  	[tilespmem:s26+$0x18C00] =	vst v0  }
0x21: {  	[tilespmem:s26+$0x18C10] =	vst v0  }
0x22: {  	[tilespmem:s26+$0x18C20] =	vst v0  }
0x23: {  	[tilespmem:s26+$0x18C30] =	vst v0  }
0x24: {  	[tilespmem:s26+$0x18C40] =	vst v0  }
0x25: {  	[tilespmem:s26+$0x18C50] =	vst v0  }
0x26: {  	[tilespmem:s26+$0x18C60] =	vst v0  }
0x27: {  	[spmem:s7] =	stream.linear.scatter [tilespmem:s16], [sflag:$0x3], $0x4000, $0x38;
	[tilespmem:$0x1CC00] =	vst v63  }
0x28: {  	_ =	swait.ge [sflag:s17], $0x4000  }
0x29: {  	[sflag:s17] =	ssyncset.done $0x0  }
0x2a: {  	[sflag:s17] =	ssyncadd.s32 $0xFFFFC000  }
0x2b: {  	[spmem:s8] =	stream.linear.scatter [tilespmem:s16], [sflag:$0x3], $0x4000, $0x38;
	[tilespmem:$0x1CC00] =	vst v63  }
0x2c: {  	_ =	swait.ge [sflag:s17], $0x4000  }
0x2d: {  	[sflag:s17] =	ssyncset.done $0x0  }
0x2e: {  	[sflag:s17] =	ssyncadd.s32 $0xFFFFC000  }
0x2f: {  	[spmem:s9] =	stream.linear.scatter [tilespmem:s16], [sflag:$0x3], $0x4000, $0x38;
	[tilespmem:$0x1CC00] =	vst v63  }
0x30: {  	_ =	swait.ge [sflag:s17], $0x4000  }
0x31: {  	[sflag:s17] =	ssyncset.done $0x0  }
0x32: {  	[sflag:s17] =	ssyncadd.s32 $0xFFFFC000  }
0x33: {  	[spmem:s10] =	stream.linear.scatter [tilespmem:s16], [sflag:$0x3], $0x4000, $0x38;
	[tilespmem:$0x1CC00] =	vst v63  }
0x34: {  	_ =	swait.ge [sflag:s17], $0x4000  }
0x35: {  	[sflag:s17] =	ssyncset.done $0x0  }
0x36: {  	s26 =	simm.s32 @!p0 $0x18C00;
	[sflag:s17] =	ssyncadd.s32 $0xFFFFC000  }
0x37: {  	[spmem:s11] =	stream.linear.scatter @!p0 [tilespmem:s26], [sflag:$0x3], $0x4000, $0x38;
	[tilespmem:$0x1CC00] =	vst v63  }
0x38: {  	s26 =	simm.s32 @!p0 $0x3  }
0x39: {  	_ =	swait.ge @!p0 [sflag:s26], $0x4000  }
0x3a: {  	[sflag:s26] =	ssyncset.done @!p0 $0x0  }
0x3b: {  	[sflag:s26] =	ssyncadd.s32 @!p0 $0xFFFFC000  }
0x3c: {  	_ =	swait.ge [sflag:s18], $0x2780  }
0x3d: {  	[sflag:s18] =	ssyncset.done $0x0  }
0x3e: {  	[sflag:s18] =	ssyncadd.s32 $0xFFFFD880  }
0x3f: {  	_ =	swait.ge [sflag:s18], $0x2780  }
0x40: {  	[sflag:s18] =	ssyncset.done $0x0  }
0x41: {  	[sflag:s18] =	ssyncadd.s32 $0xFFFFD880  }
0x42: {  	s31 =	simm.s32 $0x13C00;
	[bflag:$0x0] =	sbarrier.arrive $0xFFFF  }
0x43: {  	[tilespmem:s16], [sflag:$0x1] =	stream.indirect.gather [hbm4b:s0+s19], $0x80, s31, s19, $0xb8;
	[tilespmem:$0x1CC00] =	vst v63  }
0x44: {  	_ =	swait.ge [sflag:s20], $0x4000  }
0x45: {  	[sflag:s20] =	ssyncset.done $0x0  }
0x46: {  	s29 =	simm.s32 $0x16400;
	[sflag:s20] =	ssyncadd.s32 $0xFFFFC000  }
0x47: {  	[spmem:s3] =	stream.indirect.scatter.add.f32 [tilespmem:s16], [sflag:$0x3], $0x80, s29, s19, $0xb8;
	[tilespmem:$0x1CC00] =	vst v63  }
0x48: {  	_ =	swait.ge [sflag:s17], $0x4000  }
0x49: {  	[sflag:s17] =	ssyncset.done $0x0  }
0x4a: {  	s30 =	simm.s32 $0x13C80;
	[sflag:s17] =	ssyncadd.s32 $0xFFFFC000  }
0x4b: {  	[tilespmem:s16], [sflag:$0x1] =	stream.indirect.gather [hbm4b:s0+s19], $0x80, s30, s19, $0xb8;
	[tilespmem:$0x1CC00] =	vst v63  }
0x4c: {  	_ =	swait.ge [sflag:s20], $0x4000  }
0x4d: {  	[sflag:s20] =	ssyncset.done $0x0  }
0x4e: {  	s31 =	simm.s32 $0x16480;
	[sflag:s20] =	ssyncadd.s32 $0xFFFFC000  }
0x4f: {  	[spmem:s3] =	stream.indirect.scatter.add.f32 [tilespmem:s16], [sflag:$0x3], $0x80, s31, s19, $0xb8;
	[tilespmem:$0x1CC00] =	vst v63  }
0x50: {  	_ =	swait.ge [sflag:s17], $0x4000  }
0x51: {  	s28 =	simm.s32 $0x800;
	s26 =	simm.s32 $0x100;
	[sflag:s17] =	ssyncset.done $0x0  }
.LBB2_4:
0x52: {  	s29 =	sadd.s32 $0x13C00, s26  }
0x53: {  	[sflag:s17] =	ssyncadd.s32 $0xFFFFC000;
	s30 =	smov.u32 s28;
	s31 =	sadd.s32 $0x400, s28  }
0x54: {  	[tilespmem:s16], [sflag:$0x1] =	stream.indirect.gather [hbm4b:s0+s19], $0x80, s29, s19, $0xb8;
	[tilespmem:$0x1CC00] =	vst v63  }
0x55: {  	p1 =	sne.s32 s28, $0x9800;
	_ =	swait.ge [sflag:s20], $0x4000  }
0x56: {  	[sflag:s20] =	ssyncset.done $0x0  }
0x57: {  	s28 =	sadd.s32 $0x16400, s26;
	[sflag:s20] =	ssyncadd.s32 $0xFFFFC000  }
0x58: {  	[spmem:s3] =	stream.indirect.scatter.add.f32 [tilespmem:s16], [sflag:$0x3], $0x80, s28, s19, $0xb8;
	[tilespmem:$0x1CC00] =	vst v63  }
0x59: {  	_ =	swait.ge [sflag:s17], $0x4000  }
0x5a: {  	[sflag:s17] =	ssyncset.done $0x0  }
0x5b: {  	s28 =	sadd.s32 $0x13C80, s26;
	[sflag:s17] =	ssyncadd.s32 $0xFFFFC000  }
0x5c: {  	[tilespmem:s16], [sflag:$0x1] =	stream.indirect.gather [hbm4b:s0+s19], $0x80, s28, s19, $0xb8;
	[tilespmem:$0x1CC00] =	vst v63  }
0x5d: {  	_ =	swait.ge [sflag:s20], $0x4000  }
.Ltmp1:
0x5e: {  	[sflag:s20] =	ssyncset.done $0x0;
	(pc) =	sbr.rel @p1 .LBB2_4-.Ltmp1, $4  }
0x5f: {  	s26 =	sadd.s32 $0x16480, s26;
	[sflag:s20] =	ssyncadd.s32 $0xFFFFC000  }
0x60: {  	[spmem:s3] =	stream.indirect.scatter.add.f32 [tilespmem:s16], [sflag:$0x3], $0x80, s26, s19, $0xb8;
	[tilespmem:$0x1CC00] =	vst v63  }
0x61: {  	_ =	swait.ge [sflag:s17], $0x4000  }
0x62: {  	s28 =	smov.u32 s31;
	s26 =	sshra.s32 s30, $0x2;
	[sflag:s17] =	ssyncset.done $0x0  }
0x63: {  	s28 =	sadd.s32 $0x13C00, s26;
	[sflag:s17] =	ssyncadd.s32 $0xFFFFC000  }
0x64: {  	[tilespmem:s16], [sflag:$0x1] =	stream.indirect.gather [hbm4b:s0+s19], $0x80, s28, s19, $0xb8;
	[tilespmem:$0x1CC00] =	vst v63  }
0x65: {  	_ =	swait.ge [sflag:s20], $0x4000  }
0x66: {  	[sflag:s20] =	ssyncset.done $0x0  }
0x67: {  	s29 =	sadd.s32 $0x16400, s26;
	[sflag:s20] =	ssyncadd.s32 $0xFFFFC000  }
0x68: {  	[spmem:s3] =	stream.indirect.scatter.add.f32 [tilespmem:s16], [sflag:$0x3], $0x80, s29, s19, $0xb8;
	[tilespmem:$0x1CC00] =	vst v63  }
0x69: {  	_ =	swait.ge [sflag:s17], $0x4000  }
0x6a: {  	[sflag:s17] =	ssyncset.done $0x0  }
0x6b: {  	s30 =	sadd.s32 $0x13C80, s26;
	[sflag:s17] =	ssyncadd.s32 $0xFFFFC000  }
0x6c: {  	[tilespmem:s16], [sflag:$0x1] =	stream.indirect.gather [hbm4b:s0+s19], $0x80, s30, s19, $0xb8;
	[tilespmem:$0x1CC00] =	vst v63  }
0x6d: {  	_ =	swait.ge [sflag:s20], $0x4000  }
0x6e: {  	[sflag:s20] =	ssyncset.done $0x0  }
0x6f: {  	s31 =	sadd.s32 $0x16480, s26;
	[sflag:s20] =	ssyncadd.s32 $0xFFFFC000  }
0x70: {  	[spmem:s3] =	stream.indirect.scatter.add.f32 [tilespmem:s16], [sflag:$0x3], $0x80, s31, s19, $0xb8;
	[tilespmem:$0x1CC00] =	vst v63  }
0x71: {  	_ =	swait.ge [sflag:s17], $0x4000  }
0x72: {  	[sflag:s17] =	ssyncset.done $0x0  }
0x73: {  	[sflag:s17] =	ssyncadd.s32 $0xFFFFC000  }
0x74: {  	[tilespmem:s16], [sflag:$0x1] =	stream.indirect.gather [hbm4b:s0+s19], $0x80, s21, s19, $0xb8;
	[tilespmem:$0x1CC00] =	vst v63  }
0x75: {  	_ =	swait.ge [sflag:s20], $0x4000  }
0x76: {  	[sflag:s20] =	ssyncset.done $0x0  }
0x77: {  	[sflag:s20] =	ssyncadd.s32 $0xFFFFC000  }
0x78: {  	[spmem:s3] =	stream.indirect.scatter.add.f32 [tilespmem:s16], [sflag:$0x3], $0x80, s22, s19, $0xb8;
	[tilespmem:$0x1CC00] =	vst v63  }
0x79: {  	_ =	swait.ge [sflag:s17], $0x4000  }
0x7a: {  	s25 =	sadd.s32 $0x1, s25;
	[sflag:s17] =	ssyncset.done $0x0  }
0x7b: {  	p1 =	sne.s32 s25, s13;
	[sflag:s17] =	ssyncadd.s32 $0xFFFFC000  }
.Ltmp2:
0x7c: {  	[bflag:$0x0] =	sbarrier.arrive $0xFFFF;
	(pc) =	sbr.rel @p1 .LBB2_1-.Ltmp2, $4  }
0x7d: {  	[hbm:s12], [sflag:s23] =	dma.local [spmem:s24], $0x2780  }
0x7e: {  	_ =	swait.ge [sflag:s17], $0x2780  }
0x7f: {  	[sflag:s17] =	ssyncset.done $0x0  }
0x80: {  	[sflag:s17] =	ssyncadd.s32 $0xFFFFD880  }
0x81: {  	_ =	sfence.sel $0x180000  }
0x82: {  	[bflag:$0x0] =	sbarrier.arrive $0xFFFF  }
0x83: {  	p0 =	sne.s32 s1, $0x0;
	_ =	strace $0x90000047  }
0x84: {  	s0 =	sadd.s32 @!p0 $0x100000, s2;
	[bflag:$0x2] =	sbarrier.arrive $0xFFFF  }
0x85: {  	[sflag:s0] =	ssyncadd.tile.s32 @!p0 $0x1;
	_ =	shalt  }
.Lfunc_end2:
_tile_overlayer_lowered:
.L_overlay_start_2:
0x86: {  	(tag) =	ssettag $0x2  }
0x87: {  	s0 =	rddreg [dreg:$0x0];
	s2 =	stileid.u32  }
0x88: {  	s1 =	rddreg [dreg:$0x1];
	p0 =	sne.s32 s2, $0x0  }
0x89: {  	s3 =	rddreg [dreg:$0x2];
	[bflag:$0x3] =	sbarrier.arrive $0xFFFF;
	s2 =	simm.s32 @!p0 $0x1C03  }
0x8a: {  	[timem:s3], [sflag:s2] =	dma.local @!p0 [hbm:s0], s1  }
0x8b: {  	s0 =	simm.s32 @!p0 $0x3  }
0x8c: {  	_ =	swait.ge @!p0 [sflag:s0], s1  }
0x8d: {  	s1 =	ssub.s32 @!p0 $0x0, s1;
	[sflag:s0] =	ssyncset.done @!p0 $0x0  }
0x8e: {  	[sflag:s0] =	ssyncadd.s32 @!p0 s1  }
0x8f: {  	[bflag:$0x3] =	sbarrier.arrive $0xFFFF  }
0x90: {  	_ =	shalt  }

</sc_bundles>
